<compile_context>
chip_gen: v7x
topology: tpu7x:2x2x1
jax: 0.10.2.dev20260603
libtpu: 0.0.44.dev20260713+nightly
codegen_flags: <defaults>
</compile_context>

<pallas_src>
import functools

import jax
import jax.numpy as jnp
from jax import lax
from jax.experimental import pallas as pl
from jax.experimental.pallas import tpu as pltpu
from jax.experimental.pallas import tpu_sc as plsc

FLAT_N = 32 * 576
EMB_K = 8192
EMB_D = 64
TOK_T = 256
NUM_TILES = FLAT_N // TOK_T
CHUNK_BOUNDS = (0, 4096, 8192)
LOSS_SCALE = 1.25 / (FLAT_N * EMB_D)


def _argmin_body(flat_ref, emb_ref, idx_ref, loss_ref):
    flat = flat_ref[...]
    x2 = jnp.sum(flat * flat, axis=1, keepdims=True)
    ones = jnp.ones((1, EMB_D), jnp.float32)

    minval = jnp.full((TOK_T, 1), jnp.inf, jnp.bfloat16)
    chosen = jnp.full((TOK_T, 1), jnp.inf, jnp.float32)
    minidx = jnp.zeros((TOK_T, 1), jnp.int32)
    for lo, hi in zip(CHUNK_BOUNDS[:-1], CHUNK_BOUNDS[1:]):
        width = hi - lo
        emb_c = emb_ref[pl.ds(lo, width), :]
        e2 = lax.dot_general(ones, emb_c * emb_c,
                             (((1,), (1,)), ((), ())),
                             preferred_element_type=jnp.float32)
        xe = lax.dot_general(flat, emb_c,
                             (((1,), (1,)), ((), ())),
                             preferred_element_type=jnp.float32)
        d = (e2 + x2) - 2.0 * xe
        mv = jnp.min(d, axis=1, keepdims=True)
        iota = lax.broadcasted_iota(jnp.int32, (TOK_T, width), 1) + lo
        mi = jnp.min(jnp.where(d == mv, iota, EMB_K), axis=1, keepdims=True)
        better = mv < minval.astype(jnp.float32)
        minidx = jnp.where(better, mi, minidx)
        chosen = jnp.where(better, mv, chosen)
        minval = jnp.where(better, mv.astype(jnp.bfloat16), minval)

    idx_ref[0, :, :] = minidx

    @pl.when(pl.program_id(0) == 0)
    def _():
        loss_ref[0, 0] = 0.0

    loss_ref[0, 0] += jnp.sum(chosen)

    @pl.when(pl.program_id(0) == NUM_TILES - 1)
    def _():
        loss_ref[0, 0] = loss_ref[0, 0] * LOSS_SCALE


def _argmin_call(flat, embeddings):
    return pl.pallas_call(
        _argmin_body,
        grid=(NUM_TILES,),
        in_specs=[
            pl.BlockSpec((TOK_T, EMB_D), lambda i: (i, 0)),
            pl.BlockSpec((EMB_K, EMB_D), lambda i: (0, 0)),
        ],
        out_specs=[
            pl.BlockSpec((1, TOK_T, 1), lambda i: (i, 0, 0)),
            pl.BlockSpec(memory_space=pltpu.SMEM, block_shape=(1, 1),
                         index_map=lambda i: (0, 0)),
        ],
        out_shape=[
            jax.ShapeDtypeStruct((NUM_TILES, TOK_T, 1), jnp.int32),
            jax.ShapeDtypeStruct((1, 1), jnp.float32),
        ],
        compiler_params=pltpu.CompilerParams(
            dimension_semantics=("arbitrary",),
        ),
    )(flat, embeddings)


_NC = 2
_NS = 16
_NW = _NC * _NS
_B_PER_W = FLAT_N // _NW
_IDX_W = 96
_N_CH = _B_PER_W // _IDX_W
_PAD_D = 128


def _gather_body(table_hbm, idx_hbm, out_hbm, idx_v, rows_v, sem):
    wid = lax.axis_index("s") * _NC + lax.axis_index("c")
    pltpu.sync_copy(idx_hbm.at[wid], idx_v)
    copies = [
        pltpu.async_copy(table_hbm.at[idx_v.at[j]],
                         rows_v.at[pl.ds(j * _IDX_W, _IDX_W)], sem)
        for j in range(_N_CH)
    ]
    for c in copies:
        c.wait()
    pltpu.sync_copy(rows_v, out_hbm.at[pl.ds(wid * _B_PER_W, _B_PER_W)])


def _gather_call(table_pad, idx2):
    mesh = plsc.VectorSubcoreMesh(
        core_axis_name="c", subcore_axis_name="s",
        num_cores=_NC, num_subcores=_NS)
    return pl.kernel(
        _gather_body,
        out_type=jax.ShapeDtypeStruct((FLAT_N, _PAD_D), jnp.float32),
        mesh=mesh,
        scratch_types=[
            pltpu.VMEM((_N_CH, _IDX_W), jnp.int32),
            pltpu.VMEM((_B_PER_W, _PAD_D), jnp.float32),
            pltpu.SemaphoreType.DMA,
        ],
    )(table_pad, idx2)


def kernel(inputs, embeddings):
    flat = inputs.reshape(FLAT_N, EMB_D)
    idx3, loss = _argmin_call(flat, embeddings)
    idx2 = idx3.reshape(_NW, _N_CH, _IDX_W)
    table_pad = jnp.pad(embeddings, ((0, 0), (0, _PAD_D - EMB_D)))
    quantized = _gather_call(table_pad, idx2)[:, :EMB_D].reshape(inputs.shape)
    quantized_st = inputs + (quantized - inputs)
    return loss[0, 0], quantized_st

# --- scband reference (transcript-rebuilt; emitter-appended) ---
"""Pipeline reference for scband-vector-quantizer-3015067041859 (READ-ONLY COPY).

The authoritative reference and input builder live on the scoring server;
editing this copy changes nothing except your own understanding.
"""

import jax, jax.numpy as jnp
import numpy as np

NUM_EMBEDDINGS = 8192
EMBEDDING_DIM = 64
COMMITMENT_COST = 0.25


def setup_inputs(seed: int = 0) -> dict:
    key = jax.random.key(seed)
    k1, k2 = jax.random.split(key)
    inputs = jax.random.normal(k1, (32, 576, EMBEDDING_DIM), dtype=jnp.float32)
    bound = 1.0 / NUM_EMBEDDINGS
    embeddings = jax.random.uniform(k2, (NUM_EMBEDDINGS, EMBEDDING_DIM), dtype=jnp.float32, minval=-bound, maxval=bound)
    return {"inputs": inputs, "embeddings": embeddings}


def reference(inputs, embeddings):
    input_shape = inputs.shape
    d = embeddings.shape[1]
    # flat_inputs = inputs.detach().view(-1, d)
    flat = jax.lax.stop_gradient(inputs).reshape(-1, d)
    # addmm(sum(E^2,1) + sum(flat^2,1,keepdim), flat, E.T, alpha=-2, beta=1)
    distances = (jnp.sum(embeddings ** 2, axis=1)[None, :]
                 + jnp.sum(flat ** 2, axis=1, keepdims=True)
                 - 2.0 * (flat @ embeddings.T))
    indices = jnp.argmin(distances, axis=-1)
    quantized = jnp.take(embeddings, indices, axis=0).reshape(input_shape)
    # eval-mode path: no EMA updates, no codebook reinit (unactivated_count never exceeds 300 here)
    e_latent_loss = jnp.mean((jax.lax.stop_gradient(quantized) - inputs) ** 2)
    q_latent_loss = jnp.mean((quantized - jax.lax.stop_gradient(inputs)) ** 2)
    loss = q_latent_loss + COMMITMENT_COST * e_latent_loss
    quantized_st = inputs + jax.lax.stop_gradient(quantized - inputs)
    return (loss, quantized_st)

if __name__ == "__main__":
    import jax
    _d = setup_inputs()
    print(jax.jit(kernel)(*tuple(_d.values())))

</pallas_src>

<mosaic_0001>
#map = affine_map<(d0, d1) -> (0, 0)>
#map1 = affine_map<(d0, d1) -> (0, 0, 0)>
module attributes {stable_mosaic.version = 14 : i64} {
  func.func @_gather_body(%arg0: i32, %arg1: i32, %arg2: memref<8192x128xf32, #tpu.memory_space<hbm>>, %arg3: memref<32x6x96xi32, #tpu.memory_space<hbm>>, %arg4: memref<18432x128xf32, #tpu.memory_space<hbm>>, %arg5: memref<6x96xi32, #tpu.memory_space<vmem>>, %arg6: memref<576x128xf32, #tpu.memory_space<vmem>>, %arg7: memref<!tpu.dma_semaphore, #tpu.memory_space<semaphore_mem>>) attributes {dimension_semantics = [#tpu.dimension_semantics<core_parallel>, #tpu.dimension_semantics<subcore_parallel>], iteration_bounds = array<i64: 2, 16>, scalar_prefetch = 0 : i64, scratch_operands = 3 : i64, tpu.core_type = #tpu.core_type<sc_vector_subcore>, window_params = [{transform_indices = #map}, {transform_indices = #map1}, {transform_indices = #map}]} {
    %mul3A = arith.constant 2 : i32
    %mul3A_0 = arith.muli %arg1, %mul3A : i32
    %add3A = arith.addi %mul3A_0, %arg0 : i32
    "tpu.region"() ({
      %run_scoped3A = tpu.sem_alloc : memref<!tpu.dma_semaphore, #tpu.memory_space<semaphore_mem>>
      %dma_start3A_121 = arith.constant 0 : i32
      %dma_start3A_122 = arith.constant 0 : i32
      %dma_start3A_123 = tpu.memref_slice %arg3[%add3A, %dma_start3A_121, %dma_start3A_122] : memref<32x6x96xi32, #tpu.memory_space<hbm>> -> memref<1x6x96xi32, #tpu.memory_space<hbm>>
      %dma_start3A_124 = tpu.memref_squeeze %dma_start3A_123 : memref<1x6x96xi32, #tpu.memory_space<hbm>> -> memref<6x96xi32, #tpu.memory_space<hbm>>
      %dma_start3A_125 = arith.constant 0 : i32
      %dma_start3A_126 = arith.constant 0 : i32
      %dma_start3A_127 = tpu.memref_slice %arg3[%add3A, %dma_start3A_125, %dma_start3A_126] : memref<32x6x96xi32, #tpu.memory_space<hbm>> -> memref<1x6x96xi32, #tpu.memory_space<hbm>>
      %dma_start3A_128 = tpu.memref_squeeze %dma_start3A_127 : memref<1x6x96xi32, #tpu.memory_space<hbm>> -> memref<6x96xi32, #tpu.memory_space<hbm>>
      tpu.enqueue_dma source(%dma_start3A_128 : memref<6x96xi32, #tpu.memory_space<hbm>>) target(%arg5 : memref<6x96xi32, #tpu.memory_space<vmem>>) target_semaphore(%run_scoped3A : memref<!tpu.dma_semaphore, #tpu.memory_space<semaphore_mem>>)
      %dma_wait3A_129 = arith.constant 0 : i32
      %dma_wait3A_130 = arith.constant 0 : i32
      %dma_wait3A_131 = tpu.memref_slice %arg3[%add3A, %dma_wait3A_129, %dma_wait3A_130] : memref<32x6x96xi32, #tpu.memory_space<hbm>> -> memref<1x6x96xi32, #tpu.memory_space<hbm>>
      %dma_wait3A_132 = tpu.memref_squeeze %dma_wait3A_131 : memref<1x6x96xi32, #tpu.memory_space<hbm>> -> memref<6x96xi32, #tpu.memory_space<hbm>>
      %dma_wait3A_133 = arith.constant 0 : i32
      %dma_wait3A_134 = arith.constant 0 : i32
      %dma_wait3A_135 = tpu.memref_slice %arg3[%add3A, %dma_wait3A_133, %dma_wait3A_134] : memref<32x6x96xi32, #tpu.memory_space<hbm>> -> memref<1x6x96xi32, #tpu.memory_space<hbm>>
      %dma_wait3A_136 = tpu.memref_squeeze %dma_wait3A_135 : memref<1x6x96xi32, #tpu.memory_space<hbm>> -> memref<6x96xi32, #tpu.memory_space<hbm>>
      tpu.wait_dma2 semaphore(%run_scoped3A : memref<!tpu.dma_semaphore, #tpu.memory_space<semaphore_mem>>) src(%dma_wait3A_136 : memref<6x96xi32, #tpu.memory_space<hbm>>) dst(%arg5 : memref<6x96xi32, #tpu.memory_space<vmem>>)
      tpu.yield
    }) : () -> ()
    %dma_start3A = arith.constant 0 : i32
    %dma_start3A_1 = arith.constant 0 : i32
    %dma_start3A_2 = arith.constant 0 : i32
    %dma_start3A_3 = tpu.memref_slice %arg6[%dma_start3A_1, %dma_start3A_2] : memref<576x128xf32, #tpu.memory_space<vmem>> -> memref<96x128xf32, #tpu.memory_space<vmem>>
    %dma_start3A_4 = arith.constant 0 : i32
    %dma_start3A_5 = tpu.memref_slice %arg5[%dma_start3A, %dma_start3A_4] : memref<6x96xi32, #tpu.memory_space<vmem>> -> memref<1x96xi32, #tpu.memory_space<vmem>>
    %dma_start3A_6 = tpu.memref_squeeze %dma_start3A_5 : memref<1x96xi32, #tpu.memory_space<vmem>> -> memref<96xi32, #tpu.memory_space<vmem>>
    %dma_start3A_7 = arith.constant 0 : i32
    %dma_start3A_8 = arith.constant 0 : i32
    %dma_start3A_9 = tpu.memref_slice %arg2[%dma_start3A_7, %dma_start3A_8] : memref<8192x128xf32, #tpu.memory_space<hbm>> -> memref<8192x128xf32, #tpu.memory_space<hbm>>
    tpu.enqueue_indirect_dma source(%dma_start3A_9 : memref<8192x128xf32, #tpu.memory_space<hbm>>) target(%dma_start3A_3 : memref<96x128xf32, #tpu.memory_space<vmem>>) offsets(%dma_start3A_6 : memref<96xi32, #tpu.memory_space<vmem>>) semaphore(%arg7 : memref<!tpu.dma_semaphore, #tpu.memory_space<semaphore_mem>>)
    %dma_start3A_10 = arith.constant 1 : i32
    %dma_start3A_11 = arith.constant 96 : i32
    %dma_start3A_12 = arith.constant 0 : i32
    %dma_start3A_13 = tpu.memref_slice %arg6[%dma_start3A_11, %dma_start3A_12] : memref<576x128xf32, #tpu.memory_space<vmem>> -> memref<96x128xf32, #tpu.memory_space<vmem>>
    %dma_start3A_14 = arith.constant 0 : i32
    %dma_start3A_15 = tpu.memref_slice %arg5[%dma_start3A_10, %dma_start3A_14] : memref<6x96xi32, #tpu.memory_space<vmem>> -> memref<1x96xi32, #tpu.memory_space<vmem>>
    %dma_start3A_16 = tpu.memref_squeeze %dma_start3A_15 : memref<1x96xi32, #tpu.memory_space<vmem>> -> memref<96xi32, #tpu.memory_space<vmem>>
    %dma_start3A_17 = arith.constant 0 : i32
    %dma_start3A_18 = arith.constant 0 : i32
    %dma_start3A_19 = tpu.memref_slice %arg2[%dma_start3A_17, %dma_start3A_18] : memref<8192x128xf32, #tpu.memory_space<hbm>> -> memref<8192x128xf32, #tpu.memory_space<hbm>>
    tpu.enqueue_indirect_dma source(%dma_start3A_19 : memref<8192x128xf32, #tpu.memory_space<hbm>>) target(%dma_start3A_13 : memref<96x128xf32, #tpu.memory_space<vmem>>) offsets(%dma_start3A_16 : memref<96xi32, #tpu.memory_space<vmem>>) semaphore(%arg7 : memref<!tpu.dma_semaphore, #tpu.memory_space<semaphore_mem>>)
    %dma_start3A_20 = arith.constant 2 : i32
    %dma_start3A_21 = arith.constant 192 : i32
    %dma_start3A_22 = arith.constant 0 : i32
    %dma_start3A_23 = tpu.memref_slice %arg6[%dma_start3A_21, %dma_start3A_22] : memref<576x128xf32, #tpu.memory_space<vmem>> -> memref<96x128xf32, #tpu.memory_space<vmem>>
    %dma_start3A_24 = arith.constant 0 : i32
    %dma_start3A_25 = tpu.memref_slice %arg5[%dma_start3A_20, %dma_start3A_24] : memref<6x96xi32, #tpu.memory_space<vmem>> -> memref<1x96xi32, #tpu.memory_space<vmem>>
    %dma_start3A_26 = tpu.memref_squeeze %dma_start3A_25 : memref<1x96xi32, #tpu.memory_space<vmem>> -> memref<96xi32, #tpu.memory_space<vmem>>
    %dma_start3A_27 = arith.constant 0 : i32
    %dma_start3A_28 = arith.constant 0 : i32
    %dma_start3A_29 = tpu.memref_slice %arg2[%dma_start3A_27, %dma_start3A_28] : memref<8192x128xf32, #tpu.memory_space<hbm>> -> memref<8192x128xf32, #tpu.memory_space<hbm>>
    tpu.enqueue_indirect_dma source(%dma_start3A_29 : memref<8192x128xf32, #tpu.memory_space<hbm>>) target(%dma_start3A_23 : memref<96x128xf32, #tpu.memory_space<vmem>>) offsets(%dma_start3A_26 : memref<96xi32, #tpu.memory_space<vmem>>) semaphore(%arg7 : memref<!tpu.dma_semaphore, #tpu.memory_space<semaphore_mem>>)
    %dma_start3A_30 = arith.constant 3 : i32
    %dma_start3A_31 = arith.constant 288 : i32
    %dma_start3A_32 = arith.constant 0 : i32
    %dma_start3A_33 = tpu.memref_slice %arg6[%dma_start3A_31, %dma_start3A_32] : memref<576x128xf32, #tpu.memory_space<vmem>> -> memref<96x128xf32, #tpu.memory_space<vmem>>
    %dma_start3A_34 = arith.constant 0 : i32
    %dma_start3A_35 = tpu.memref_slice %arg5[%dma_start3A_30, %dma_start3A_34] : memref<6x96xi32, #tpu.memory_space<vmem>> -> memref<1x96xi32, #tpu.memory_space<vmem>>
    %dma_start3A_36 = tpu.memref_squeeze %dma_start3A_35 : memref<1x96xi32, #tpu.memory_space<vmem>> -> memref<96xi32, #tpu.memory_space<vmem>>
    %dma_start3A_37 = arith.constant 0 : i32
    %dma_start3A_38 = arith.constant 0 : i32
    %dma_start3A_39 = tpu.memref_slice %arg2[%dma_start3A_37, %dma_start3A_38] : memref<8192x128xf32, #tpu.memory_space<hbm>> -> memref<8192x128xf32, #tpu.memory_space<hbm>>
    tpu.enqueue_indirect_dma source(%dma_start3A_39 : memref<8192x128xf32, #tpu.memory_space<hbm>>) target(%dma_start3A_33 : memref<96x128xf32, #tpu.memory_space<vmem>>) offsets(%dma_start3A_36 : memref<96xi32, #tpu.memory_space<vmem>>) semaphore(%arg7 : memref<!tpu.dma_semaphore, #tpu.memory_space<semaphore_mem>>)
    %dma_start3A_40 = arith.constant 4 : i32
    %dma_start3A_41 = arith.constant 384 : i32
    %dma_start3A_42 = arith.constant 0 : i32
    %dma_start3A_43 = tpu.memref_slice %arg6[%dma_start3A_41, %dma_start3A_42] : memref<576x128xf32, #tpu.memory_space<vmem>> -> memref<96x128xf32, #tpu.memory_space<vmem>>
    %dma_start3A_44 = arith.constant 0 : i32
    %dma_start3A_45 = tpu.memref_slice %arg5[%dma_start3A_40, %dma_start3A_44] : memref<6x96xi32, #tpu.memory_space<vmem>> -> memref<1x96xi32, #tpu.memory_space<vmem>>
    %dma_start3A_46 = tpu.memref_squeeze %dma_start3A_45 : memref<1x96xi32, #tpu.memory_space<vmem>> -> memref<96xi32, #tpu.memory_space<vmem>>
    %dma_start3A_47 = arith.constant 0 : i32
    %dma_start3A_48 = arith.constant 0 : i32
    %dma_start3A_49 = tpu.memref_slice %arg2[%dma_start3A_47, %dma_start3A_48] : memref<8192x128xf32, #tpu.memory_space<hbm>> -> memref<8192x128xf32, #tpu.memory_space<hbm>>
    tpu.enqueue_indirect_dma source(%dma_start3A_49 : memref<8192x128xf32, #tpu.memory_space<hbm>>) target(%dma_start3A_43 : memref<96x128xf32, #tpu.memory_space<vmem>>) offsets(%dma_start3A_46 : memref<96xi32, #tpu.memory_space<vmem>>) semaphore(%arg7 : memref<!tpu.dma_semaphore, #tpu.memory_space<semaphore_mem>>)
    %dma_start3A_50 = arith.constant 5 : i32
    %dma_start3A_51 = arith.constant 480 : i32
    %dma_start3A_52 = arith.constant 0 : i32
    %dma_start3A_53 = tpu.memref_slice %arg6[%dma_start3A_51, %dma_start3A_52] : memref<576x128xf32, #tpu.memory_space<vmem>> -> memref<96x128xf32, #tpu.memory_space<vmem>>
    %dma_start3A_54 = arith.constant 0 : i32
    %dma_start3A_55 = tpu.memref_slice %arg5[%dma_start3A_50, %dma_start3A_54] : memref<6x96xi32, #tpu.memory_space<vmem>> -> memref<1x96xi32, #tpu.memory_space<vmem>>
    %dma_start3A_56 = tpu.memref_squeeze %dma_start3A_55 : memref<1x96xi32, #tpu.memory_space<vmem>> -> memref<96xi32, #tpu.memory_space<vmem>>
    %dma_start3A_57 = arith.constant 0 : i32
    %dma_start3A_58 = arith.constant 0 : i32
    %dma_start3A_59 = tpu.memref_slice %arg2[%dma_start3A_57, %dma_start3A_58] : memref<8192x128xf32, #tpu.memory_space<hbm>> -> memref<8192x128xf32, #tpu.memory_space<hbm>>
    tpu.enqueue_indirect_dma source(%dma_start3A_59 : memref<8192x128xf32, #tpu.memory_space<hbm>>) target(%dma_start3A_53 : memref<96x128xf32, #tpu.memory_space<vmem>>) offsets(%dma_start3A_56 : memref<96xi32, #tpu.memory_space<vmem>>) semaphore(%arg7 : memref<!tpu.dma_semaphore, #tpu.memory_space<semaphore_mem>>)
    %dma_wait3A = arith.constant 0 : i32
    %dma_wait3A_60 = arith.constant 0 : i32
    %dma_wait3A_61 = arith.constant 0 : i32
    %dma_wait3A_62 = tpu.memref_slice %arg6[%dma_wait3A_60, %dma_wait3A_61] : memref<576x128xf32, #tpu.memory_space<vmem>> -> memref<96x128xf32, #tpu.memory_space<vmem>>
    %dma_wait3A_63 = arith.constant 0 : i32
    %dma_wait3A_64 = tpu.memref_slice %arg5[%dma_wait3A, %dma_wait3A_63] : memref<6x96xi32, #tpu.memory_space<vmem>> -> memref<1x96xi32, #tpu.memory_space<vmem>>
    %dma_wait3A_65 = tpu.memref_squeeze %dma_wait3A_64 : memref<1x96xi32, #tpu.memory_space<vmem>> -> memref<96xi32, #tpu.memory_space<vmem>>
    %dma_wait3A_66 = arith.constant 0 : i32
    %dma_wait3A_67 = arith.constant 0 : i32
    %dma_wait3A_68 = tpu.memref_slice %arg2[%dma_wait3A_66, %dma_wait3A_67] : memref<8192x128xf32, #tpu.memory_space<hbm>> -> memref<8192x128xf32, #tpu.memory_space<hbm>>
    tpu.wait_indirect_dma semaphore(%arg7 : memref<!tpu.dma_semaphore, #tpu.memory_space<semaphore_mem>>) src(%dma_wait3A_68 : memref<8192x128xf32, #tpu.memory_space<hbm>>) dst(%dma_wait3A_62 : memref<96x128xf32, #tpu.memory_space<vmem>>)
    %dma_wait3A_69 = arith.constant 1 : i32
    %dma_wait3A_70 = arith.constant 96 : i32
    %dma_wait3A_71 = arith.constant 0 : i32
    %dma_wait3A_72 = tpu.memref_slice %arg6[%dma_wait3A_70, %dma_wait3A_71] : memref<576x128xf32, #tpu.memory_space<vmem>> -> memref<96x128xf32, #tpu.memory_space<vmem>>
    %dma_wait3A_73 = arith.constant 0 : i32
    %dma_wait3A_74 = tpu.memref_slice %arg5[%dma_wait3A_69, %dma_wait3A_73] : memref<6x96xi32, #tpu.memory_space<vmem>> -> memref<1x96xi32, #tpu.memory_space<vmem>>
    %dma_wait3A_75 = tpu.memref_squeeze %dma_wait3A_74 : memref<1x96xi32, #tpu.memory_space<vmem>> -> memref<96xi32, #tpu.memory_space<vmem>>
    %dma_wait3A_76 = arith.constant 0 : i32
    %dma_wait3A_77 = arith.constant 0 : i32
    %dma_wait3A_78 = tpu.memref_slice %arg2[%dma_wait3A_76, %dma_wait3A_77] : memref<8192x128xf32, #tpu.memory_space<hbm>> -> memref<8192x128xf32, #tpu.memory_space<hbm>>
    tpu.wait_indirect_dma semaphore(%arg7 : memref<!tpu.dma_semaphore, #tpu.memory_space<semaphore_mem>>) src(%dma_wait3A_78 : memref<8192x128xf32, #tpu.memory_space<hbm>>) dst(%dma_wait3A_72 : memref<96x128xf32, #tpu.memory_space<vmem>>)
    %dma_wait3A_79 = arith.constant 2 : i32
    %dma_wait3A_80 = arith.constant 192 : i32
    %dma_wait3A_81 = arith.constant 0 : i32
    %dma_wait3A_82 = tpu.memref_slice %arg6[%dma_wait3A_80, %dma_wait3A_81] : memref<576x128xf32, #tpu.memory_space<vmem>> -> memref<96x128xf32, #tpu.memory_space<vmem>>
    %dma_wait3A_83 = arith.constant 0 : i32
    %dma_wait3A_84 = tpu.memref_slice %arg5[%dma_wait3A_79, %dma_wait3A_83] : memref<6x96xi32, #tpu.memory_space<vmem>> -> memref<1x96xi32, #tpu.memory_space<vmem>>
    %dma_wait3A_85 = tpu.memref_squeeze %dma_wait3A_84 : memref<1x96xi32, #tpu.memory_space<vmem>> -> memref<96xi32, #tpu.memory_space<vmem>>
    %dma_wait3A_86 = arith.constant 0 : i32
    %dma_wait3A_87 = arith.constant 0 : i32
    %dma_wait3A_88 = tpu.memref_slice %arg2[%dma_wait3A_86, %dma_wait3A_87] : memref<8192x128xf32, #tpu.memory_space<hbm>> -> memref<8192x128xf32, #tpu.memory_space<hbm>>
    tpu.wait_indirect_dma semaphore(%arg7 : memref<!tpu.dma_semaphore, #tpu.memory_space<semaphore_mem>>) src(%dma_wait3A_88 : memref<8192x128xf32, #tpu.memory_space<hbm>>) dst(%dma_wait3A_82 : memref<96x128xf32, #tpu.memory_space<vmem>>)
    %dma_wait3A_89 = arith.constant 3 : i32
    %dma_wait3A_90 = arith.constant 288 : i32
    %dma_wait3A_91 = arith.constant 0 : i32
    %dma_wait3A_92 = tpu.memref_slice %arg6[%dma_wait3A_90, %dma_wait3A_91] : memref<576x128xf32, #tpu.memory_space<vmem>> -> memref<96x128xf32, #tpu.memory_space<vmem>>
    %dma_wait3A_93 = arith.constant 0 : i32
    %dma_wait3A_94 = tpu.memref_slice %arg5[%dma_wait3A_89, %dma_wait3A_93] : memref<6x96xi32, #tpu.memory_space<vmem>> -> memref<1x96xi32, #tpu.memory_space<vmem>>
    %dma_wait3A_95 = tpu.memref_squeeze %dma_wait3A_94 : memref<1x96xi32, #tpu.memory_space<vmem>> -> memref<96xi32, #tpu.memory_space<vmem>>
    %dma_wait3A_96 = arith.constant 0 : i32
    %dma_wait3A_97 = arith.constant 0 : i32
    %dma_wait3A_98 = tpu.memref_slice %arg2[%dma_wait3A_96, %dma_wait3A_97] : memref<8192x128xf32, #tpu.memory_space<hbm>> -> memref<8192x128xf32, #tpu.memory_space<hbm>>
    tpu.wait_indirect_dma semaphore(%arg7 : memref<!tpu.dma_semaphore, #tpu.memory_space<semaphore_mem>>) src(%dma_wait3A_98 : memref<8192x128xf32, #tpu.memory_space<hbm>>) dst(%dma_wait3A_92 : memref<96x128xf32, #tpu.memory_space<vmem>>)
    %dma_wait3A_99 = arith.constant 4 : i32
    %dma_wait3A_100 = arith.constant 384 : i32
    %dma_wait3A_101 = arith.constant 0 : i32
    %dma_wait3A_102 = tpu.memref_slice %arg6[%dma_wait3A_100, %dma_wait3A_101] : memref<576x128xf32, #tpu.memory_space<vmem>> -> memref<96x128xf32, #tpu.memory_space<vmem>>
    %dma_wait3A_103 = arith.constant 0 : i32
    %dma_wait3A_104 = tpu.memref_slice %arg5[%dma_wait3A_99, %dma_wait3A_103] : memref<6x96xi32, #tpu.memory_space<vmem>> -> memref<1x96xi32, #tpu.memory_space<vmem>>
    %dma_wait3A_105 = tpu.memref_squeeze %dma_wait3A_104 : memref<1x96xi32, #tpu.memory_space<vmem>> -> memref<96xi32, #tpu.memory_space<vmem>>
    %dma_wait3A_106 = arith.constant 0 : i32
    %dma_wait3A_107 = arith.constant 0 : i32
    %dma_wait3A_108 = tpu.memref_slice %arg2[%dma_wait3A_106, %dma_wait3A_107] : memref<8192x128xf32, #tpu.memory_space<hbm>> -> memref<8192x128xf32, #tpu.memory_space<hbm>>
    tpu.wait_indirect_dma semaphore(%arg7 : memref<!tpu.dma_semaphore, #tpu.memory_space<semaphore_mem>>) src(%dma_wait3A_108 : memref<8192x128xf32, #tpu.memory_space<hbm>>) dst(%dma_wait3A_102 : memref<96x128xf32, #tpu.memory_space<vmem>>)
    %dma_wait3A_109 = arith.constant 5 : i32
    %dma_wait3A_110 = arith.constant 480 : i32
    %dma_wait3A_111 = arith.constant 0 : i32
    %dma_wait3A_112 = tpu.memref_slice %arg6[%dma_wait3A_110, %dma_wait3A_111] : memref<576x128xf32, #tpu.memory_space<vmem>> -> memref<96x128xf32, #tpu.memory_space<vmem>>
    %dma_wait3A_113 = arith.constant 0 : i32
    %dma_wait3A_114 = tpu.memref_slice %arg5[%dma_wait3A_109, %dma_wait3A_113] : memref<6x96xi32, #tpu.memory_space<vmem>> -> memref<1x96xi32, #tpu.memory_space<vmem>>
    %dma_wait3A_115 = tpu.memref_squeeze %dma_wait3A_114 : memref<1x96xi32, #tpu.memory_space<vmem>> -> memref<96xi32, #tpu.memory_space<vmem>>
    %dma_wait3A_116 = arith.constant 0 : i32
    %dma_wait3A_117 = arith.constant 0 : i32
    %dma_wait3A_118 = tpu.memref_slice %arg2[%dma_wait3A_116, %dma_wait3A_117] : memref<8192x128xf32, #tpu.memory_space<hbm>> -> memref<8192x128xf32, #tpu.memory_space<hbm>>
    tpu.wait_indirect_dma semaphore(%arg7 : memref<!tpu.dma_semaphore, #tpu.memory_space<semaphore_mem>>) src(%dma_wait3A_118 : memref<8192x128xf32, #tpu.memory_space<hbm>>) dst(%dma_wait3A_112 : memref<96x128xf32, #tpu.memory_space<vmem>>)
    %mul3A_119 = arith.constant 576 : i32
    %mul3A_120 = arith.muli %add3A, %mul3A_119 : i32
    "tpu.region"() ({
      %run_scoped3A = tpu.sem_alloc : memref<!tpu.dma_semaphore, #tpu.memory_space<semaphore_mem>>
      %dma_start3A_121 = arith.constant 0 : i32
      %dma_start3A_122 = tpu.memref_slice %arg4[%mul3A_120, %dma_start3A_121] : memref<18432x128xf32, #tpu.memory_space<hbm>> -> memref<576x128xf32, #tpu.memory_space<hbm>>
      %dma_start3A_123 = arith.constant 0 : i32
      %dma_start3A_124 = tpu.memref_slice %arg4[%mul3A_120, %dma_start3A_123] : memref<18432x128xf32, #tpu.memory_space<hbm>> -> memref<576x128xf32, #tpu.memory_space<hbm>>
      tpu.enqueue_dma source(%arg6 : memref<576x128xf32, #tpu.memory_space<vmem>>) target(%dma_start3A_124 : memref<576x128xf32, #tpu.memory_space<hbm>>) target_semaphore(%run_scoped3A : memref<!tpu.dma_semaphore, #tpu.memory_space<semaphore_mem>>)
      %dma_wait3A_125 = arith.constant 0 : i32
      %dma_wait3A_126 = tpu.memref_slice %arg4[%mul3A_120, %dma_wait3A_125] : memref<18432x128xf32, #tpu.memory_space<hbm>> -> memref<576x128xf32, #tpu.memory_space<hbm>>
      %dma_wait3A_127 = arith.constant 0 : i32
      %dma_wait3A_128 = tpu.memref_slice %arg4[%mul3A_120, %dma_wait3A_127] : memref<18432x128xf32, #tpu.memory_space<hbm>> -> memref<576x128xf32, #tpu.memory_space<hbm>>
      tpu.wait_dma2 semaphore(%run_scoped3A : memref<!tpu.dma_semaphore, #tpu.memory_space<semaphore_mem>>) src(%arg6 : memref<576x128xf32, #tpu.memory_space<vmem>>) dst(%dma_wait3A_128 : memref<576x128xf32, #tpu.memory_space<hbm>>)
      tpu.yield
    }) : () -> ()
    return
  }
}

module attributes {stable_mosaic.version = 14 : i64} {
  func.func @_argmin_body(%arg0: i32, %arg1: memref<256x64xf32, #tpu.memory_space<vmem>>, %arg2: memref<8192x64xf32, #tpu.memory_space<vmem>>, %arg3: memref<1x256x1xi32, #tpu.memory_space<vmem>>, %arg4: memref<1x1xf32, #tpu.memory_space<smem>>) attributes {dimension_semantics = [#tpu.dimension_semantics<arbitrary>], iteration_bounds = array<i64: 72>, scalar_prefetch = 0 : i64, scratch_operands = 0 : i64, tpu.core_type = #tpu.core_type<tc>, window_params = [{transform_indices = @transform_0, window_bounds = array<i64: 256, 64>}, {pipeline_mode = #tpu.pipeline_mode<synchronous>, transform_indices = @transform_1, window_bounds = array<i64: 8192, 64>}, {transform_indices = @transform_2, window_bounds = array<i64: 1, 256, 1>}, {transform_indices = @transform_3, window_bounds = array<i64: 1, 1>}]} {
    %get3A = arith.constant 0 : index
    %get3A_0 = arith.constant 0 : index
    %get3A_1 = vector.load %arg1[%get3A, %get3A_0] : memref<256x64xf32, #tpu.memory_space<vmem>>, vector<256x64xf32>
    %mul3A = arith.mulf %get3A_1, %get3A_1 : vector<256x64xf32>
    %reduce_sum3A = arith.constant dense<0.000000e+00> : vector<256xf32>
    %reduce_sum3A_2 = vector.multi_reduction <add>, %mul3A, %reduce_sum3A [1] : vector<256x64xf32> to vector<256xf32>
    %broadcast_in_dim3A = vector.shape_cast %reduce_sum3A_2 : vector<256xf32> to vector<256x1xf32>
    %broadcast_in_dim3A_3 = arith.constant 1.000000e+00 : f32
    %broadcast_in_dim3A_4 = vector.broadcast %broadcast_in_dim3A_3 : f32 to vector<1x64xf32>
    %broadcast_in_dim3A_5 = arith.constant 0x7F80 : bf16
    %broadcast_in_dim3A_6 = vector.broadcast %broadcast_in_dim3A_5 : bf16 to vector<256x1xbf16>
    %broadcast_in_dim3A_7 = arith.constant 0x7F800000 : f32
    %broadcast_in_dim3A_8 = vector.broadcast %broadcast_in_dim3A_7 : f32 to vector<256x1xf32>
    %broadcast_in_dim3A_9 = arith.constant 0 : i32
    %broadcast_in_dim3A_10 = vector.broadcast %broadcast_in_dim3A_9 : i32 to vector<256x1xi32>
    %get3A_11 = arith.constant 0 : index
    %get3A_12 = arith.constant 0 : index
    %get3A_13 = vector.load %arg2[%get3A_11, %get3A_12] : memref<8192x64xf32, #tpu.memory_space<vmem>>, vector<4096x64xf32>
    %mul3A_14 = arith.mulf %get3A_13, %get3A_13 : vector<4096x64xf32>
    %dot_general3A = arith.constant dense<0.000000e+00> : vector<1x4096xf32>
    %dot_general3A_15 = tpu.matmul %broadcast_in_dim3A_4, %mul3A_14, %dot_general3A {dimension_numbers = #tpu.dot_dimension_numbers<[1], [1], [0], [0], [0, 0, 1, 0], [], []>, transpose_lhs_hint = false} : vector<1x64xf32>, vector<4096x64xf32>, vector<1x4096xf32> -> vector<1x4096xf32>
    %dot_general3A_16 = arith.constant dense<0.000000e+00> : vector<256x4096xf32>
    %dot_general3A_17 = tpu.matmul %get3A_1, %get3A_13, %dot_general3A_16 {dimension_numbers = #tpu.dot_dimension_numbers<[1], [1], [0], [0], [0, 0, 1, 0], [], []>, transpose_lhs_hint = false} : vector<256x64xf32>, vector<4096x64xf32>, vector<256x4096xf32> -> vector<256x4096xf32>
    %add3A = vector.broadcast %dot_general3A_15 : vector<1x4096xf32> to vector<256x4096xf32>
    %add3A_18 = vector.broadcast %broadcast_in_dim3A : vector<256x1xf32> to vector<256x4096xf32>
    %add3A_19 = arith.addf %add3A, %add3A_18 : vector<256x4096xf32>
    %mul3A_20 = arith.constant 2.000000e+00 : f32
    %mul3A_21 = vector.broadcast %mul3A_20 : f32 to vector<256x4096xf32>
    %mul3A_22 = arith.mulf %mul3A_21, %dot_general3A_17 : vector<256x4096xf32>
    %sub3A = arith.subf %add3A_19, %mul3A_22 : vector<256x4096xf32>
    %reduce_min3A = arith.constant dense<0x7F800000> : vector<256xf32>
    %reduce_min3A_23 = vector.multi_reduction <minimumf>, %sub3A, %reduce_min3A [1] : vector<256x4096xf32> to vector<256xf32>
    %broadcast_in_dim3A_24 = vector.shape_cast %reduce_min3A_23 : vector<256xf32> to vector<256x1xf32>
    %iota3A = tpu.iota {dimensions = array<i32: 1>} : vector<256x4096xi32>
    %add3A_25 = arith.constant 0 : i32
    %add3A_26 = vector.broadcast %add3A_25 : i32 to vector<256x4096xi32>
    %add3A_27 = arith.addi %iota3A, %add3A_26 : vector<256x4096xi32>
    %eq3A = vector.broadcast %broadcast_in_dim3A_24 : vector<256x1xf32> to vector<256x4096xf32>
    %eq3A_28 = arith.cmpf oeq, %sub3A, %eq3A : vector<256x4096xf32>
    %jit3A = arith.constant 8192 : i32
    %broadcast_in_dim3A_29 = vector.broadcast %jit3A : i32 to vector<256x4096xi32>
    %select_n3A = arith.select %eq3A_28, %add3A_27, %broadcast_in_dim3A_29 : vector<256x4096xi1>, vector<256x4096xi32>
    %reduce_min3A_30 = arith.constant dense<2147483647> : vector<256xi32>
    %reduce_min3A_31 = vector.multi_reduction <minsi>, %select_n3A, %reduce_min3A_30 [1] : vector<256x4096xi32> to vector<256xi32>
    %broadcast_in_dim3A_32 = vector.shape_cast %reduce_min3A_31 : vector<256xi32> to vector<256x1xi32>
    %convert_element_type3A = arith.extf %broadcast_in_dim3A_6 : vector<256x1xbf16> to vector<256x1xf32>
    %lt3A = arith.cmpf olt, %broadcast_in_dim3A_24, %convert_element_type3A : vector<256x1xf32>
    %select_n3A_33 = arith.select %lt3A, %broadcast_in_dim3A_32, %broadcast_in_dim3A_10 : vector<256x1xi1>, vector<256x1xi32>
    %select_n3A_34 = arith.select %lt3A, %broadcast_in_dim3A_24, %broadcast_in_dim3A_8 : vector<256x1xi1>, vector<256x1xf32>
    %convert_element_type3A_35 = arith.truncf %broadcast_in_dim3A_24 : vector<256x1xf32> to vector<256x1xbf16>
    %select_n3A_36 = arith.select %lt3A, %convert_element_type3A_35, %broadcast_in_dim3A_6 : vector<256x1xi1>, vector<256x1xbf16>
    %get3A_37 = arith.constant 4096 : index
    %get3A_38 = arith.constant 0 : index
    %get3A_39 = vector.load %arg2[%get3A_37, %get3A_38] : memref<8192x64xf32, #tpu.memory_space<vmem>>, vector<4096x64xf32>
    %mul3A_40 = arith.mulf %get3A_39, %get3A_39 : vector<4096x64xf32>
    %dot_general3A_41 = arith.constant dense<0.000000e+00> : vector<1x4096xf32>
    %dot_general3A_42 = tpu.matmul %broadcast_in_dim3A_4, %mul3A_40, %dot_general3A_41 {dimension_numbers = #tpu.dot_dimension_numbers<[1], [1], [0], [0], [0, 0, 1, 0], [], []>, transpose_lhs_hint = false} : vector<1x64xf32>, vector<4096x64xf32>, vector<1x4096xf32> -> vector<1x4096xf32>
    %dot_general3A_43 = arith.constant dense<0.000000e+00> : vector<256x4096xf32>
    %dot_general3A_44 = tpu.matmul %get3A_1, %get3A_39, %dot_general3A_43 {dimension_numbers = #tpu.dot_dimension_numbers<[1], [1], [0], [0], [0, 0, 1, 0], [], []>, transpose_lhs_hint = false} : vector<256x64xf32>, vector<4096x64xf32>, vector<256x4096xf32> -> vector<256x4096xf32>
    %add3A_45 = vector.broadcast %dot_general3A_42 : vector<1x4096xf32> to vector<256x4096xf32>
    %add3A_46 = vector.broadcast %broadcast_in_dim3A : vector<256x1xf32> to vector<256x4096xf32>
    %add3A_47 = arith.addf %add3A_45, %add3A_46 : vector<256x4096xf32>
    %mul3A_48 = arith.constant 2.000000e+00 : f32
    %mul3A_49 = vector.broadcast %mul3A_48 : f32 to vector<256x4096xf32>
    %mul3A_50 = arith.mulf %mul3A_49, %dot_general3A_44 : vector<256x4096xf32>
    %sub3A_51 = arith.subf %add3A_47, %mul3A_50 : vector<256x4096xf32>
    %reduce_min3A_52 = arith.constant dense<0x7F800000> : vector<256xf32>
    %reduce_min3A_53 = vector.multi_reduction <minimumf>, %sub3A_51, %reduce_min3A_52 [1] : vector<256x4096xf32> to vector<256xf32>
    %broadcast_in_dim3A_54 = vector.shape_cast %reduce_min3A_53 : vector<256xf32> to vector<256x1xf32>
    %iota3A_55 = tpu.iota {dimensions = array<i32: 1>} : vector<256x4096xi32>
    %add3A_56 = arith.constant 4096 : i32
    %add3A_57 = vector.broadcast %add3A_56 : i32 to vector<256x4096xi32>
    %add3A_58 = arith.addi %iota3A_55, %add3A_57 : vector<256x4096xi32>
    %eq3A_59 = vector.broadcast %broadcast_in_dim3A_54 : vector<256x1xf32> to vector<256x4096xf32>
    %eq3A_60 = arith.cmpf oeq, %sub3A_51, %eq3A_59 : vector<256x4096xf32>
    %jit3A_61 = arith.constant 8192 : i32
    %broadcast_in_dim3A_62 = vector.broadcast %jit3A_61 : i32 to vector<256x4096xi32>
    %select_n3A_63 = arith.select %eq3A_60, %add3A_58, %broadcast_in_dim3A_62 : vector<256x4096xi1>, vector<256x4096xi32>
    %reduce_min3A_64 = arith.constant dense<2147483647> : vector<256xi32>
    %reduce_min3A_65 = vector.multi_reduction <minsi>, %select_n3A_63, %reduce_min3A_64 [1] : vector<256x4096xi32> to vector<256xi32>
    %broadcast_in_dim3A_66 = vector.shape_cast %reduce_min3A_65 : vector<256xi32> to vector<256x1xi32>
    %convert_element_type3A_67 = arith.extf %select_n3A_36 : vector<256x1xbf16> to vector<256x1xf32>
    %lt3A_68 = arith.cmpf olt, %broadcast_in_dim3A_54, %convert_element_type3A_67 : vector<256x1xf32>
    %select_n3A_69 = arith.select %lt3A_68, %broadcast_in_dim3A_66, %select_n3A_33 : vector<256x1xi1>, vector<256x1xi32>
    %select_n3A_70 = arith.select %lt3A_68, %broadcast_in_dim3A_54, %select_n3A_34 : vector<256x1xi1>, vector<256x1xf32>
    %swap3A = arith.constant 0 : index
    %swap3A_71 = arith.constant 0 : index
    %swap3A_72 = arith.constant 0 : index
    %swap3A_73 = vector.load %arg3[%swap3A, %swap3A_71, %swap3A_72] : memref<1x256x1xi32, #tpu.memory_space<vmem>>, vector<1x256x1xi32>
    %swap3A_74 = vector.shape_cast %swap3A_73 : vector<1x256x1xi32> to vector<256x1xi32>
    %swap3A_75 = vector.shape_cast %select_n3A_69 : vector<256x1xi32> to vector<1x256x1xi32>
    tpu.vector_store %arg3[%swap3A, %swap3A_71, %swap3A_72], %swap3A_75 {strides = array<i32>} : memref<1x256x1xi32, #tpu.memory_space<vmem>>, vector<1x256x1xi32>,
    %eq3A_76 = arith.constant 0 : i32
    %eq3A_77 = arith.cmpi eq, %arg0, %eq3A_76 : i32
    %convert_element_type3A_78 = arith.extui %eq3A_77 : i1 to i32
    %cond3A = arith.constant 0 : i32
    %cond3A_79 = arith.cmpi ne, %convert_element_type3A_78, %cond3A : i32
    scf.if %cond3A_79 {
      %swap3A_97 = arith.constant 0.000000e+00 : f32
      %swap3A_98 = arith.constant 0 : index
      %swap3A_99 = arith.constant 0 : index
      %swap3A_100 = memref.load %arg4[%swap3A_98, %swap3A_99] : memref<1x1xf32, #tpu.memory_space<smem>>
      memref.store %swap3A_97, %arg4[%swap3A_98, %swap3A_99] : memref<1x1xf32, #tpu.memory_space<smem>>
    } else {
    }
    %get3A_80 = arith.constant 0 : index
    %get3A_81 = arith.constant 0 : index
    %get3A_82 = memref.load %arg4[%get3A_80, %get3A_81] : memref<1x1xf32, #tpu.memory_space<smem>>
    %reduce_sum3A_83 = vector.shape_cast %select_n3A_70 : vector<256x1xf32> to vector<1x256x1xf32>
    %reduce_sum3A_84 = arith.constant dense<0.000000e+00> : vector<1xf32>
    %reduce_sum3A_85 = vector.multi_reduction <add>, %reduce_sum3A_83, %reduce_sum3A_84 [1, 2] : vector<1x256x1xf32> to vector<1xf32>
    %reduce_sum3A_86 = vector.shape_cast %reduce_sum3A_85 : vector<1xf32> to vector<1x1x1xf32>
    %reduce_sum3A_87 = vector.extract %reduce_sum3A_86[0, 0, 0] : f32 from vector<1x1x1xf32>
    %add3A_88 = arith.addf %get3A_82, %reduce_sum3A_87 : f32
    %swap3A_89 = arith.constant 0 : index
    %swap3A_90 = arith.constant 0 : index
    %swap3A_91 = memref.load %arg4[%swap3A_89, %swap3A_90] : memref<1x1xf32, #tpu.memory_space<smem>>
    memref.store %add3A_88, %arg4[%swap3A_89, %swap3A_90] : memref<1x1xf32, #tpu.memory_space<smem>>
    %eq3A_92 = arith.constant 71 : i32
    %eq3A_93 = arith.cmpi eq, %arg0, %eq3A_92 : i32
    %convert_element_type3A_94 = arith.extui %eq3A_93 : i1 to i32
    %cond3A_95 = arith.constant 0 : i32
    %cond3A_96 = arith.cmpi ne, %convert_element_type3A_94, %cond3A_95 : i32
    scf.if %cond3A_96 {
      %get3A_97 = arith.constant 0 : index
      %get3A_98 = arith.constant 0 : index
      %get3A_99 = memref.load %arg4[%get3A_97, %get3A_98] : memref<1x1xf32, #tpu.memory_space<smem>>
      %mul3A_100 = arith.constant 1.05963818E-6 : f32
      %mul3A_101 = arith.mulf %get3A_99, %mul3A_100 : f32
      %swap3A_102 = arith.constant 0 : index
      %swap3A_103 = arith.constant 0 : index
      %swap3A_104 = memref.load %arg4[%swap3A_102, %swap3A_103] : memref<1x1xf32, #tpu.memory_space<smem>>
      memref.store %mul3A_101, %arg4[%swap3A_102, %swap3A_103] : memref<1x1xf32, #tpu.memory_space<smem>>
    } else {
    }
    return
  }
  func.func @transform_0(%arg0: i32) -> (i32, i32) {
    %c0_i32 = arith.constant 0 : i32
    %c0_i32_0 = arith.constant 0 : i32
    return %arg0, %c0_i32 : i32, i32
  }
  func.func @transform_1(%arg0: i32) -> (i32, i32) {
    %c0_i32 = arith.constant 0 : i32
    %c0_i32_0 = arith.constant 0 : i32
    %c0_i32_1 = arith.constant 0 : i32
    return %c0_i32, %c0_i32_0 : i32, i32
  }
  func.func @transform_2(%arg0: i32) -> (i32, i32, i32) {
    %c0_i32 = arith.constant 0 : i32
    %c0_i32_0 = arith.constant 0 : i32
    %c0_i32_1 = arith.constant 0 : i32
    return %arg0, %c0_i32, %c0_i32_0 : i32, i32, i32
  }
  func.func @transform_3(%arg0: i32) -> (i32, i32) {
    %c0_i32 = arith.constant 0 : i32
    %c0_i32_0 = arith.constant 0 : i32
    %c0_i32_1 = arith.constant 0 : i32
    return %c0_i32, %c0_i32_0 : i32, i32
  }
}

</mosaic_0001>

<sc_bundles>
// kernel: kernel.4.cloned.1.call-start
scs
__scs_entry_jumppad:
0x0: {  	(pc) =	sbr.rel $0x88, $3  }
0x1: {  	(tag) =	ssettag $0x0;
	lr =	simm.s32 $0x1  }
0x2: {  	[smem:$0x3F9F] =	sst lr;
	_ =	strace $0xD0000000  }
0x3: {  	_ = 	snop  }
0x4: {  	_ = 	snop  }
0x5: {  	_ = 	snop  }
0x6: {  	_ = 	snop  }
0x7: {  	_ = 	snop  }
__scs_overlays_trampoline_lowered:
0x8: {  	[smem:$0x3FAE] =	sst s0  }
0x9: {  	[smem:$0x3FAF] =	sst s1  }
0xa: {  	[smem:$0x3FB0] =	sst s2  }
0xb: {  	[smem:$0x3FB1] =	sst s3  }
0xc: {  	[smem:$0x3FB2] =	sst s4  }
0xd: {  	[smem:$0x3FB3] =	sst s5  }
0xe: {  	[smem:$0x3FB4] =	sst s6  }
0xf: {  	[smem:$0x3FB5] =	sst s7  }
0x10: {  	[smem:$0x3FB6] =	sst s8  }
0x11: {  	[smem:$0x3FB7] =	sst s9;
	s0 =	simm.s32 @!p0 $0x0  }
0x12: {  	s1 =	sld [smem:$0x3F9D];
	s0 =	simm.s32 @p0 $0x1  }
0x13: {  	[smem:$0x3FB8] =	sst s0;
	s0 =	simm.s32 @!p1 $0x0  }
0x14: {  	s2 =	sld [smem:$0x3F9C];
	s0 =	simm.s32 @p1 $0x1  }
0x15: {  	[smem:$0x3FB9] =	sst s0;
	s0 =	simm.s32 @!p2 $0x0  }
0x16: {  	s3 =	sld [smem:$0x3FDB];
	s0 =	simm.s32 @p2 $0x1  }
0x17: {  	s4 =	simm.s32 $0x1BF5;
	[smem:$0x3FBB] =	sst s0  }
0x18: {  	s0 =	sld [smem:$0x3F9E];
	_ =	swait.ge [sflag:s4], $0x0  }
0x19: {  	s7 =	sld [smem:$0x3F9F]  }
0x1a: {  	s8 =	sadd.s32 $0xFFFFE003, lr  }
0x1b: {  	s9 =	sadd.s32 $0xFFFFFEF7, lr;
	s5 =	simm.s32 $0xFFFFFFFF;
	p2 =	slt.u32 s8, $0xFFFFF086  }
0x1c: {  	p1 =	slt.u32 s9, $0xF7A;
	s5 =	simm.s32 @!p2 $0x0  }
0x1d: {  	s5 =	simm.s32 @p1 $0x1;
	p0 =	seq.s32 s7, s2  }
0x1e: {  	s7 =	smul.u32 @!p0 $0xF7A, s2;
	p2 =	seq.s32 @!p0 s5, $0x0  }
0x1f: {  	s9 =	smul.u32 $0xF7A, s1;
	s8 =	simm.s32 @!p0 $0x1BF5;
	p2 =	por !p2, p0  }
0x20: {  	[sflag:s8] =	ssyncset.s32 @!p0 $0xFFFFF086;
	s6 =	sadd.s32 @!p0 s3, s7;
	s7 =	simm.s32 @!p0 $0x108  }
0x21: {  	s3 =	sadd.s32 s3, s9;
	s6 =	sadd.s32 @!p0 $0x88, s6;
	s7 =	simm.s32 @p2 $0x1082  }
0x22: {  	[simem:s7], [sflag:s8] =	dma.local @!p0 [hbm:s6], $0xF7A  }
0x23: {  	s9 =	sor.u32 $0xD0000000, s2;
	s6 =	simm.s32 $0x108;
	_ =	swait.ge @!p0 [sflag:s8], $0x0  }
0x24: {  	s3 =	sadd.s32 $0x88, s3;
	s6 =	simm.s32 @!p1 $0x1082;
	[sflag:s4] =	ssyncset.s32 $0xFFFFF086  }
0x25: {  	[simem:s6], [sflag:s4] =	dma.local [hbm:s3], $0xF7A  }
0x26: {  	[smem:$0x3F9F] =	sst s1;
	(tag) =	ssettag s2;
	_ =	strace s9  }
0x27: {  	s1 =	sld [smem:$0x3FAF]  }
0x28: {  	s2 =	sld [smem:$0x3FB0]  }
0x29: {  	s4 =	sld [smem:$0x3FB2]  }
0x2a: {  	p0 =	seq.s32 s5, $0x0;
	s5 =	sld [smem:$0x3FB3]  }
0x2b: {  	s6 =	sld [smem:$0x3FB4]  }
0x2c: {  	s7 =	sld [smem:$0x3FB5]  }
0x2d: {  	s3 =	simm.s32 $0x108;
	s8 =	sld [smem:$0x3FB6]  }
0x2e: {  	s3 =	simm.s32 @!p0 $0x1082;
	s9 =	sld [smem:$0x3FB7]  }
0x2f: {  	lr =	sadd.s32 s0, s3;
	s0 =	sld [smem:$0x3FAE]  }
0x30: {  	s3 =	sld [smem:$0x3FB1]  }
0x31: {  	[smem:$0x3FBA] =	sst s10  }
0x32: {  	s10 =	sld [smem:$0x3FB8];
	_ =	sdelay $0x3  }
0x33: {  	p0 =	seq.s32 s10, $0x1;
	s10 =	sld [smem:$0x3FBA];
	_ =	sdelay $0x3  }
0x34: {  	[smem:$0x3FBA] =	sst s10  }
0x35: {  	s10 =	sld [smem:$0x3FB9];
	_ =	sdelay $0x3  }
0x36: {  	p1 =	seq.s32 s10, $0x1;
	s10 =	sld [smem:$0x3FBA];
	_ =	sdelay $0x3  }
0x37: {  	[smem:$0x3FBA] =	sst s10  }
0x38: {  	s10 =	sld [smem:$0x3FBB]  }
0x39: {  	_ = 	snop;
	(pc) =	sbr.ind lr, $3  }
0x3a: {  	_ = 	snop  }
0x3b: {  	_ = 	snop  }
0x3c: {  	p2 =	seq.s32 s10, $0x1;
	s10 =	sld [smem:$0x3FBA]  }
0x3d: {  	_ =	shalt  }
0x3e: {  	_ =	shalt  }
0x3f: {  	_ =	shalt  }
0x40: {  	_ =	shalt  }
0x41: {  	_ =	shalt  }
0x42: {  	_ =	shalt  }
0x43: {  	_ =	shalt  }
0x44: {  	_ =	shalt  }
0x45: {  	_ =	shalt  }
0x46: {  	_ =	shalt  }
0x47: {  	_ =	shalt  }
0x48: {  	_ =	shalt  }
0x49: {  	_ =	shalt  }
0x4a: {  	_ =	shalt  }
0x4b: {  	_ =	shalt  }
0x4c: {  	_ =	shalt  }
0x4d: {  	_ =	shalt  }
0x4e: {  	_ =	shalt  }
0x4f: {  	_ =	shalt  }
0x50: {  	_ =	shalt  }
0x51: {  	_ =	shalt  }
0x52: {  	_ =	shalt  }
0x53: {  	_ =	shalt  }
0x54: {  	_ =	shalt  }
0x55: {  	_ =	shalt  }
0x56: {  	_ =	shalt  }
0x57: {  	_ =	shalt  }
0x58: {  	_ =	shalt  }
0x59: {  	_ =	shalt  }
0x5a: {  	_ =	shalt  }
0x5b: {  	_ =	shalt  }
0x5c: {  	_ =	shalt  }
0x5d: {  	_ =	shalt  }
0x5e: {  	_ =	shalt  }
0x5f: {  	_ =	shalt  }
0x60: {  	_ =	shalt  }
0x61: {  	_ =	shalt  }
0x62: {  	_ =	shalt  }
0x63: {  	_ =	shalt  }
0x64: {  	_ =	shalt  }
0x65: {  	_ =	shalt  }
0x66: {  	_ =	shalt  }
0x67: {  	_ =	shalt  }
0x68: {  	_ =	shalt  }
0x69: {  	_ =	shalt  }
0x6a: {  	_ =	shalt  }
0x6b: {  	_ =	shalt  }
0x6c: {  	_ =	shalt  }
0x6d: {  	_ =	shalt  }
0x6e: {  	_ =	shalt  }
0x6f: {  	_ =	shalt  }
0x70: {  	_ =	shalt  }
0x71: {  	_ =	shalt  }
0x72: {  	_ =	shalt  }
0x73: {  	_ =	shalt  }
0x74: {  	_ =	shalt  }
0x75: {  	_ =	shalt  }
0x76: {  	_ =	shalt  }
0x77: {  	_ =	shalt  }
0x78: {  	_ =	shalt  }
0x79: {  	_ =	shalt  }
0x7a: {  	_ =	shalt  }
0x7b: {  	_ =	shalt  }
0x7c: {  	_ =	shalt  }
0x7d: {  	_ =	shalt  }
0x7e: {  	_ =	shalt  }
0x7f: {  	_ =	shalt  }
0x80: {  	_ =	shalt  }
0x81: {  	_ =	shalt  }
0x82: {  	_ =	shalt  }
0x83: {  	_ =	shalt  }
0x84: {  	_ =	shalt  }
0x85: {  	_ =	shalt  }
0x86: {  	_ =	shalt  }
0x87: {  	_ =	shalt  }
.Lfunc_end0:
.L_simem_size_0:
called_computation_lowered:
.L_overlay_start_0:
0x88: {  	s2 =	sld [smem:$0x3FD9]  }
0x89: {  	s3 =	sld [smem:$0x3FFE];
	_ =	sdelay $0x1  }
0x8a: {  	s1 =	srdreg.scid  }
0x8b: {  	s0 =	sand.u32 $0x1, s1  }
0x8c: {  	s14 =	sshll.u32 s0, $0xA;
	s2 =	sadd.s32 s3, s2  }
0x8d: {  	s2 =	sadd.s32 s2, s14  }
0x8e: {  	[smem:$0x3FC6] =	sst s2  }
0x8f: {  	_ = 	snop  }
0x90: {  	s2 =	sld [smem:$0x3FD0];
	_ =	sdelay $0x2  }
0x91: {  	s15 =	simm.s32 $0xA;
	s4 =	simm.s32 $0x10  }
0x92: {  	[smem:s4], [sflag:s15] =	dma.local [hbm:s2], $0x1  }
0x93: {  	_ =	swait.eq [sflag:s15], $0x1  }
0x94: {  	[sflag:s15] =	ssyncset.done $0x0  }
0x95: {  	[sflag:s15] =	ssyncadd.s32 $0xFFFFFFFF  }
0x96: {  	s16 =	sld [smem:$0x11];
	(tm) =	ssettm $0x1  }
0x97: {  	s17 =	sld [smem:$0x3FFB];
	_ =	sdelay $0x3  }
0x98: {  	_ =	strace s17  }
0x99: {  	s3 =	sld [smem:$0x3FFC];
	_ =	sdelay $0x3  }
0x9a: {  	_ =	strace s3  }
0x9b: {  	s3 =	sld [smem:$0x3FFD];
	_ =	sdelay $0x3  }
0x9c: {  	_ =	strace s3  }
0x9d: {  	_ =	strace $0x8FFFFFFF  }
0x9e: {  	s18 =	sld [smem:$0x3FDB];
	_ =	sdelay $0x1  }
0x9f: {  	s19 =	simm.s32 $_scs_section_size  }
0xa0: {  	s5 =	simm.s32 $_size__tile_overlayer_lowered;
	s6 =	simm.s32 $_tile_overlayer_lowered  }
0xa1: {  	s22 =	simm.s32 $0x1BFF;
	s21 =	sshll.u32 s6, $0x1;
	s3 =	sadd.s32 s19, s18  }
0xa2: {  	s7 =	simm.s32 $0x0;
	s20 =	sshll.u32 s5, $0x1;
	s5 =	sadd.s32 s21, s3  }
0xa3: {  	[timem:s7], [sflag:s22] =	dma.local [hbm:s5], s20  }
0xa4: {  	_ =	swait.ge [sflag:s22], s20  }
0xa5: {  	s4 =	ssub.s32 $0x0, s20;
	[sflag:s22] =	ssyncset.done $0x0  }
0xa6: {  	[sflag:s22] =	ssyncadd.s32 s4;
	_ =	sdelay $0x1  }
0xa7: {  	s23 =	simm.s32 $0x1B8B  }
0xa8: {  	_ =	swait.ge [sflag:s23], $0x1  }
0xa9: {  	[sflag:s23] =	ssyncset.done $0x0  }
0xaa: {  	s25 =	simm.s32 $0x1B8E;
	s24 =	sld [smem:$0x3FFE];
	[sflag:s23] =	ssyncadd.s32 $0xFFFFFFFF  }
0xab: {  	s26 =	simm.s32 $execute0_lowered;
	[smem:$0x3FD2] =	sst s25  }
0xac: {  	s5 =	sshll.u32 s26, $0x1;
	_ =	strace $0x80000046;
	[dreg:$0x1] =	wrdreg $0xFFFFFFFF  }
0xad: {  	s28 =	simm.s32 $_size_execute0_lowered;
	s3 =	sadd.s32 s3, s5;
	[dreg:$0x0] =	wrdreg $0x0  }
0xae: {  	s5 =	sshll.u32 s28, $0x1;
	[dreg:$0x2] =	wrdreg s3  }
0xaf: {  	[dreg:$0x3] =	wrdreg s5  }
0xb0: {  	[dreg:$0x4] =	wrdreg $0xC0  }
0xb1: {  	_ =	task [dreg:s7], $0x5FFFF  }
0xb2: {  	[dreg:$0x1] =	wrdreg $0xFFFFFFFF  }
0xb3: {  	[dreg:$0x0] =	wrdreg $0x60  }
0xb4: {  	[dreg:$0x2] =	wrdreg s16  }
0xb5: {  	[dreg:$0x3] =	wrdreg s24  }
0xb6: {  	[dreg:$0x4] =	wrdreg $0x9  }
0xb7: {  	_ =	task.clear_ibuf [dreg:s7], $0x5FFFF;
	_ =	strace $0x90000046  }
0xb8: {  	s29 =	simm.s32 $0x9;
	_ =	strace $0x80000048  }
0xb9: {  	_ =	swait.ge [sflag:s29], $0x1  }
0xba: {  	[sflag:s29] =	ssyncadd.s32 $0xFFFFFFFF  }
0xbb: {  	_ =	strace $0x90000048  }
0xbc: {  	_ =	sfence  }
0xbd: {  	s30 =	sld [smem:$0x0];
	_ =	sdelay $0x2  }
0xbe: {  	s31 =	sshll.u32 s1, $0xD;
	s1 =	sshrl.u32 s1, $0x2  }
0xbf: {  	s3 =	sand.u32 $0x4000, s31;
	s1 =	sadd.s32 s1, s30  }
0xc0: {  	s0 =	sor.u32 s3, s0;
	s1 =	sshll.u32 s1, $0x11  }
0xc1: {  	s0 =	sor.u32 s1, s0  }
0xc2: {  	s0 =	sadd.s32 $0x8F2B, s0  }
0xc3: {  	[sflag:s0] =	ssyncadd.remote.s32 $0x1  }
0xc4: {  	_ =	sfence.sel $0xFFFF  }
0xc5: {  	[dreg:$0x0] =	wrdreg $0xFFFFFFFF;
	(pc) =	sbr.abs _section_cstart, $3  }
0xc6: {  	[dreg:$0x1] =	wrdreg $0xFFFFFFFF  }
0xc7: {  	_ =	task.clear_ibuf [dreg:s7], $0x2FFFF;
	_ =	strace $0x9FFFFFFF  }
0xc8: {  	(tm) =	ssettm $0x7FFFFFFF  }
0xc9: {  	_ =	shalt  }
tec
execute0_lowered:
.L_overlay_start_1:
0x0: {  	(tag) =	ssettag $0x1  }
0x1: {  	s1 =	srdreg.scid;
	s0 =	stileid.u32  }
0x2: {  	s2 =	rddreg [dreg:$0x0];
	s19 =	sand.u32 $0x1, s1;
	s29 =	sshll.u32 s0, $0x1  }
0x3: {  	s20 =	rddreg [dreg:$0x1];
	s21 =	sor.u32 s19, s29  }
0x4: {  	s3 =	simm.s32 $0x0;
	s1 =	rddreg [dreg:$0x2];
	s4 =	sshll.u32 s21, $0x7  }
0x5: {  	[smem:$0x7FF] =	sst s3;
	s4 =	sadd.s32 s4, s20  }
0x6: {  	_ =	strace $0x80000047;
	s5 =	sadd.s32 $0x400, s4;
	s4 =	simm.s32 $0x2  }
0x7: {  	[tilespmem:s3], [sflag:$0x2] =	stream.linear.gather [hbm4b:s5+s3], $0x300, $0x38;
	[tilespmem:$0x12400] =	vst v63  }
0x8: {  	_ =	swait.ge [sflag:s4], $0x300  }
0x9: {  	[sflag:s4] =	ssyncset.done $0x0  }
0xa: {  	s6 =	simm.s32 $0x60;
	s7 =	simm.s32 $0x400;
	[sflag:s4] =	ssyncadd.s32 $0xFFFFFD00  }
0xb: {  	[tilespmem:s7], [sflag:$0x1] =	stream.indirect.gather [hbm4b:s2+s6], $0x80, s3, s6, $0xb8;
	[tilespmem:$0x12400] =	vst v63  }
0xc: {  	s8 =	simm.s32 $0x80;
	s9 =	simm.s32 $0x3400  }
0xd: {  	[tilespmem:s9], [sflag:$0x1] =	stream.indirect.gather [hbm4b:s2+s6], $0x80, s8, s6, $0xb8;
	[tilespmem:$0x12400] =	vst v63  }
0xe: {  	s10 =	simm.s32 $0x100;
	s11 =	simm.s32 $0x6400  }
0xf: {  	[tilespmem:s11], [sflag:$0x1] =	stream.indirect.gather [hbm4b:s2+s6], $0x80, s10, s6, $0xb8;
	[tilespmem:$0x12400] =	vst v63  }
0x10: {  	s12 =	simm.s32 $0x180;
	s13 =	simm.s32 $0x9400  }
0x11: {  	[tilespmem:s13], [sflag:$0x1] =	stream.indirect.gather [hbm4b:s2+s6], $0x80, s12, s6, $0xb8;
	[tilespmem:$0x12400] =	vst v63  }
0x12: {  	s14 =	simm.s32 $0x200;
	s15 =	simm.s32 $0xC400  }
0x13: {  	[tilespmem:s15], [sflag:$0x1] =	stream.indirect.gather [hbm4b:s2+s6], $0x80, s14, s6, $0xb8;
	[tilespmem:$0x12400] =	vst v63  }
0x14: {  	s16 =	simm.s32 $0x280;
	s17 =	simm.s32 $0xF400;
	s18 =	simm.s32 $0x1  }
0x15: {  	[tilespmem:s17], [sflag:$0x1] =	stream.indirect.gather [hbm4b:s2+s6], $0x80, s16, s6, $0xb8;
	[tilespmem:$0x12400] =	vst v63  }
0x16: {  	_ =	swait.ge [sflag:s18], $0x3000  }
0x17: {  	[sflag:s18] =	ssyncset.done $0x0  }
0x18: {  	[sflag:s18] =	ssyncadd.s32 $0xFFFFD000  }
0x19: {  	_ =	swait.ge [sflag:s18], $0x3000  }
0x1a: {  	[sflag:s18] =	ssyncset.done $0x0  }
0x1b: {  	[sflag:s18] =	ssyncadd.s32 $0xFFFFD000  }
0x1c: {  	_ =	swait.ge [sflag:s18], $0x3000  }
0x1d: {  	[sflag:s18] =	ssyncset.done $0x0  }
0x1e: {  	[sflag:s18] =	ssyncadd.s32 $0xFFFFD000  }
0x1f: {  	_ =	swait.ge [sflag:s18], $0x3000  }
0x20: {  	[sflag:s18] =	ssyncset.done $0x0  }
0x21: {  	s19 =	ssub.s32 $0x2, s19;
	[sflag:s18] =	ssyncadd.s32 $0xFFFFD000  }
0x22: {  	s22 =	sshrl.u32 s19, $0x1;
	_ =	swait.ge [sflag:s18], $0x3000  }
0x23: {  	s30 =	ssub.s32 s19, s22;
	[sflag:s18] =	ssyncset.done $0x0  }
0x24: {  	s21 =	smul.u32 $0x2400, s21;
	s31 =	smax.u32 s30, $0x1;
	[sflag:s18] =	ssyncadd.s32 $0xFFFFD000  }
0x25: {  	p0 =	sne.s32 s31, $0x1;
	_ =	swait.ge [sflag:s18], $0x3000  }
.Ltmp0:
0x26: {  	s20 =	sadd.s32 s21, s20;
	[sflag:s18] =	ssyncset.done $0x0;
	(pc) =	sbr.rel @!p0 .LBB2_2-.Ltmp0, $4  }
0x27: {  	s19 =	sadd.s32 $0x1400, s20;
	[sflag:s18] =	ssyncadd.s32 $0xFFFFD000  }
0x28: {  	[hbm4b:s19+s3] =	stream.linear.scatter [tilespmem:s7], [sflag:$0x2], $0x12000, $0x38;
	[tilespmem:$0x12400] =	vst v63  }
0x29: {  	_ =	swait.ge [sflag:s4], $0x12000  }
0x2a: {  	s20 =	sadd.s32 $0xFFFFFFFF, s31;
	[sflag:s4] =	ssyncset.done $0x0  }
.LBB2_1:
0x2b: {  	p0 =	sne.s32 s20, $0x1;
	s20 =	sadd.s32 $0xFFFFFFFF, s20;
	[sflag:s4] =	ssyncadd.s32 $0xFFFEE000  }
0x2c: {  	[tilespmem:s3], [sflag:$0x2] =	stream.linear.gather [hbm4b:s5+s3], $0x300, $0x38;
	[tilespmem:$0x12400] =	vst v63  }
0x2d: {  	_ =	swait.ge [sflag:s4], $0x300  }
0x2e: {  	[sflag:s4] =	ssyncset.done $0x0  }
0x2f: {  	[sflag:s4] =	ssyncadd.s32 $0xFFFFFD00  }
0x30: {  	[tilespmem:s7], [sflag:$0x1] =	stream.indirect.gather [hbm4b:s2+s6], $0x80, s3, s6, $0xb8;
	[tilespmem:$0x12400] =	vst v63  }
0x31: {  	_ = 	snop  }
0x32: {  	[tilespmem:s9], [sflag:$0x1] =	stream.indirect.gather [hbm4b:s2+s6], $0x80, s8, s6, $0xb8;
	[tilespmem:$0x12400] =	vst v63  }
0x33: {  	_ = 	snop  }
0x34: {  	[tilespmem:s11], [sflag:$0x1] =	stream.indirect.gather [hbm4b:s2+s6], $0x80, s10, s6, $0xb8;
	[tilespmem:$0x12400] =	vst v63  }
0x35: {  	_ = 	snop  }
0x36: {  	[tilespmem:s13], [sflag:$0x1] =	stream.indirect.gather [hbm4b:s2+s6], $0x80, s12, s6, $0xb8;
	[tilespmem:$0x12400] =	vst v63  }
0x37: {  	_ = 	snop  }
0x38: {  	[tilespmem:s15], [sflag:$0x1] =	stream.indirect.gather [hbm4b:s2+s6], $0x80, s14, s6, $0xb8;
	[tilespmem:$0x12400] =	vst v63  }
0x39: {  	_ = 	snop  }
0x3a: {  	[tilespmem:s17], [sflag:$0x1] =	stream.indirect.gather [hbm4b:s2+s6], $0x80, s16, s6, $0xb8;
	[tilespmem:$0x12400] =	vst v63  }
0x3b: {  	_ =	swait.ge [sflag:s18], $0x3000  }
0x3c: {  	[sflag:s18] =	ssyncset.done $0x0  }
0x3d: {  	[sflag:s18] =	ssyncadd.s32 $0xFFFFD000  }
0x3e: {  	_ =	swait.ge [sflag:s18], $0x3000  }
0x3f: {  	[sflag:s18] =	ssyncset.done $0x0  }
0x40: {  	[sflag:s18] =	ssyncadd.s32 $0xFFFFD000  }
0x41: {  	_ =	swait.ge [sflag:s18], $0x3000  }
0x42: {  	[sflag:s18] =	ssyncset.done $0x0  }
0x43: {  	[sflag:s18] =	ssyncadd.s32 $0xFFFFD000  }
0x44: {  	_ =	swait.ge [sflag:s18], $0x3000  }
0x45: {  	[sflag:s18] =	ssyncset.done $0x0  }
0x46: {  	[sflag:s18] =	ssyncadd.s32 $0xFFFFD000  }
0x47: {  	_ =	swait.ge [sflag:s18], $0x3000  }
0x48: {  	[sflag:s18] =	ssyncset.done $0x0  }
0x49: {  	[sflag:s18] =	ssyncadd.s32 $0xFFFFD000  }
0x4a: {  	_ =	swait.ge [sflag:s18], $0x3000  }
.Ltmp1:
0x4b: {  	[sflag:s18] =	ssyncset.done $0x0;
	(pc) =	sbr.rel @p0 .LBB2_1-.Ltmp1, $4  }
0x4c: {  	[sflag:s18] =	ssyncadd.s32 $0xFFFFD000  }
0x4d: {  	[hbm4b:s19+s3] =	stream.linear.scatter [tilespmem:s7], [sflag:$0x2], $0x12000, $0x38;
	[tilespmem:$0x12400] =	vst v63  }
0x4e: {  	_ =	swait.ge [sflag:s4], $0x12000  }
0x4f: {  	[sflag:s4] =	ssyncset.done $0x0  }
.LBB2_2:
0x50: {  	[sflag:s4] =	ssyncadd.s32 $0xFFFEE000  }
0x51: {  	_ =	sfence.sel $0x180000  }
0x52: {  	[bflag:$0x0] =	sbarrier.arrive $0xFFFF  }
0x53: {  	p0 =	sne.s32 s0, $0x0;
	_ =	strace $0x90000047  }
0x54: {  	s0 =	sadd.s32 @!p0 $0x100000, s1;
	[bflag:$0x2] =	sbarrier.arrive $0xFFFF  }
0x55: {  	[sflag:s0] =	ssyncadd.tile.s32 @!p0 $0x1;
	_ =	shalt  }
.Lfunc_end2:
_tile_overlayer_lowered:
.L_overlay_start_2:
0x56: {  	(tag) =	ssettag $0x2  }
0x57: {  	s0 =	rddreg [dreg:$0x0];
	s2 =	stileid.u32  }
0x58: {  	s1 =	rddreg [dreg:$0x1];
	p0 =	sne.s32 s2, $0x0  }
0x59: {  	s3 =	rddreg [dreg:$0x2];
	[bflag:$0x3] =	sbarrier.arrive $0xFFFF;
	s2 =	simm.s32 @!p0 $0x1C02  }
0x5a: {  	[timem:s3], [sflag:s2] =	dma.local @!p0 [hbm:s0], s1  }
0x5b: {  	s0 =	simm.s32 @!p0 $0x2  }
0x5c: {  	_ =	swait.ge @!p0 [sflag:s0], s1  }
0x5d: {  	s1 =	ssub.s32 @!p0 $0x0, s1;
	[sflag:s0] =	ssyncset.done @!p0 $0x0  }
0x5e: {  	[sflag:s0] =	ssyncadd.s32 @!p0 s1  }
0x5f: {  	[bflag:$0x3] =	sbarrier.arrive $0xFFFF  }
0x60: {  	_ =	shalt  }

</sc_bundles>
